<compile_context>
chip_gen: v7x
topology: tpu7x:2x2x1
jax: 0.10.2.dev20260603
libtpu: 0.0.44.dev20260713+nightly
codegen_flags: <defaults>
</compile_context>

<pallas_src>
import jax
import jax.numpy as jnp
from jax import lax
from jax.experimental import pallas as pl
import numpy as np

_N = 20000
_NP = 20480
_PRE = 2000
_PAD = 2048
_POST = 1000
_THR = 0.7
_MIN_SIZE = 1e-3
_IMG_H, _IMG_W = 800.0, 1333.0
_CLIP = float(np.log(1000.0 / 16.0))
_NEG = -1e9
_BW = 256
_NB = _PAD // _BW


def _decode_body(a_ref, d_ref, o_ref, b_ref, s_ref):
    ax1 = a_ref[0:1, :]
    ay1 = a_ref[1:2, :]
    ax2 = a_ref[2:3, :]
    ay2 = a_ref[3:4, :]
    w = ax2 - ax1
    h = ay2 - ay1
    cx = ax1 + 0.5 * w
    cy = ay1 + 0.5 * h
    dx = d_ref[0:1, :]
    dy = d_ref[1:2, :]
    dw = jnp.minimum(d_ref[2:3, :], _CLIP)
    dh = jnp.minimum(d_ref[3:4, :], _CLIP)
    pcx = dx * w + cx
    pcy = dy * h + cy
    pw = jnp.exp(dw) * w
    ph = jnp.exp(dh) * h
    x1 = jnp.clip(pcx - 0.5 * pw, 0.0, _IMG_W)
    y1 = jnp.clip(pcy - 0.5 * ph, 0.0, _IMG_H)
    x2 = jnp.clip(pcx + 0.5 * pw, 0.0, _IMG_W)
    y2 = jnp.clip(pcy + 0.5 * ph, 0.0, _IMG_H)
    valid = ((x2 - x1) >= _MIN_SIZE) & ((y2 - y1) >= _MIN_SIZE)
    b_ref[0:1, :] = x1
    b_ref[1:2, :] = y1
    b_ref[2:3, :] = x2
    b_ref[3:4, :] = y2
    b_ref[4:5, :] = (x2 - x1) * (y2 - y1)
    b_ref[5:8, :] = jnp.zeros((3, _NP), jnp.float32)
    s_ref[0:1, :] = jnp.where(valid, o_ref[0:1, :], _NEG)


def _coords_col(col_ref, base):
    blk = col_ref[pl.ds(base, _BW), :]
    return blk[:, 0:1], blk[:, 1:2], blk[:, 2:3], blk[:, 3:4], blk[:, 4:5]


def _coords_row(blk_ref, i):
    def one(c):
        return blk_ref[c : c + 1, pl.ds(i, 1), :].reshape(1, _BW)

    return one(0), one(1), one(2), one(3), one(4)


def _iou_tile(rc, cc):
    rx1, ry1, rx2, ry2, ra = rc
    cx1, cy1, cx2, cy2, ca = cc
    iw = jnp.maximum(jnp.minimum(rx2, cx2) - jnp.maximum(rx1, cx1), 0.0)
    ih = jnp.maximum(jnp.minimum(ry2, cy2) - jnp.maximum(ry1, cy1), 0.0)
    inter = iw * ih
    return inter / (ra + ca - inter)


def _nms_body(col_ref, blk_ref, sc_ref, keep_ref, msc_ref):
    lane = lax.broadcasted_iota(jnp.int32, (1, _BW), 1)
    sub = lax.broadcasted_iota(jnp.int32, (_BW, 1), 0)

    def outer(i, _):
        ci = _coords_row(blk_ref, i)

        def cross(b, acc):
            rb = _coords_col(col_ref, b * _BW)
            s_bi = jnp.where(_iou_tile(rb, ci) > _THR, 1.0, 0.0)
            kb = keep_ref[pl.ds(b, 1), :]
            return acc + jnp.dot(kb, s_bi, preferred_element_type=jnp.float32)

        acc = lax.fori_loop(0, i, cross, jnp.zeros((1, _BW), jnp.float32))
        kbc = jnp.where(acc > 0.0, 0.0, 1.0)

        ri = _coords_col(col_ref, i * _BW)
        s_low = jnp.where((_iou_tile(ri, ci) > _THR) & (sub < lane), 1.0, 0.0)

        def fix_cond(c):
            return c[1]

        def fix_body(c):
            kb, _ = c
            sup = jnp.dot(kb, s_low, preferred_element_type=jnp.float32)
            nkb = jnp.where(sup > 0.0, 0.0, kbc)
            return nkb, jnp.any(nkb != kb)

        keep_blk, _ = lax.while_loop(fix_cond, fix_body, (kbc, True))
        keep_ref[pl.ds(i, 1), :] = keep_blk
        msc_ref[pl.ds(i, 1), :] = jnp.where(
            keep_blk > 0.5, sc_ref[pl.ds(i, 1), :], _NEG
        )
        return 0

    lax.fori_loop(0, _NB, outer, 0)


def kernel(anchors, objectness, pred_bbox_deltas):
    f32 = jnp.float32
    anchors8 = jnp.zeros((8, _NP), f32).at[0:4, :_N].set(anchors.T)
    deltas8 = jnp.zeros((8, _NP), f32).at[0:4, :_N].set(pred_bbox_deltas.T)
    obj = jnp.zeros((1, _NP), f32).at[0, :_N].set(objectness)

    boxes8, scores = pl.pallas_call(
        _decode_body,
        out_shape=(
            jax.ShapeDtypeStruct((8, _NP), f32),
            jax.ShapeDtypeStruct((1, _NP), f32),
        ),
    )(anchors8, deltas8, obj)

    top_scores, top_idx = lax.top_k(scores[0, :_N], _PRE)
    tba = boxes8[0:5, :][:, top_idx]
    tb = tba[0:4]
    boxes_p = jnp.pad(tba, ((0, 3), (0, _PAD - _PRE)))
    boxes_col = boxes_p.T[:, 0:5]
    boxes_blk = boxes_p[0:5].reshape(5, _NB, _BW)
    scores_blk = (
        jnp.full((_PAD,), _NEG, f32).at[:_PRE].set(top_scores).reshape(_NB, _BW)
    )

    _, msc = pl.pallas_call(
        _nms_body,
        out_shape=(
            jax.ShapeDtypeStruct((_NB, _BW), f32),
            jax.ShapeDtypeStruct((_NB, _BW), f32),
        ),
    )(boxes_col, boxes_blk, scores_blk)

    sel_scores, sel_idx = lax.top_k(msc.reshape(_PAD)[:_PRE], _POST)
    final_boxes = tb.T[sel_idx]
    return final_boxes, sel_scores

# --- scband reference (transcript-rebuilt; emitter-appended) ---
"""Pipeline reference for scband-region-proposal-network-27204322853177 (READ-ONLY COPY).

The authoritative reference and input builder live on the scoring server;
editing this copy changes nothing except your own understanding.
"""

import jax
import jax.numpy as jnp
import numpy as np

N = 20000
PRE_NMS_TOP_N = 2000
POST_NMS_TOP_N = 1000
NMS_THRESH = 0.7
MIN_SIZE = 1e-3
IMG_H, IMG_W = 800.0, 1333.0
WEIGHTS = (1.0, 1.0, 1.0, 1.0)
BBOX_XFORM_CLIP = float(np.log(1000.0 / 16.0))


def setup_inputs(seed: int = 0):
    key = jax.random.key(seed)
    k1, k2, k3, k4 = jax.random.split(key, 4)
    cxcy = jax.random.uniform(k1, (N, 2)) * jnp.array([IMG_W, IMG_H], dtype=jnp.float32)
    wh = jax.random.uniform(k2, (N, 2)) * 256.0 + 16.0
    anchors = jnp.concatenate([cxcy - 0.5 * wh, cxcy + 0.5 * wh], axis=1)
    objectness = jax.random.normal(k3, (N,), dtype=jnp.float32)
    pred_bbox_deltas = jax.random.normal(k4, (N, 4), dtype=jnp.float32) * 0.1
    return {"anchors": anchors, "objectness": objectness, "pred_bbox_deltas": pred_bbox_deltas}


def decode_single(rel_codes, boxes):
    # BoxCoder.decode_single
    wx, wy, ww, wh_ = WEIGHTS
    widths = boxes[:, 2] - boxes[:, 0]
    heights = boxes[:, 3] - boxes[:, 1]
    ctr_x = boxes[:, 0] + 0.5 * widths
    ctr_y = boxes[:, 1] + 0.5 * heights
    dx = rel_codes[:, 0] / wx
    dy = rel_codes[:, 1] / wy
    dw = rel_codes[:, 2] / ww
    dh = rel_codes[:, 3] / wh_
    dw = jnp.minimum(dw, BBOX_XFORM_CLIP)
    dh = jnp.minimum(dh, BBOX_XFORM_CLIP)
    pred_ctr_x = dx * widths + ctr_x
    pred_ctr_y = dy * heights + ctr_y
    pred_w = jnp.exp(dw) * widths
    pred_h = jnp.exp(dh) * heights
    x1 = pred_ctr_x - 0.5 * pred_w
    y1 = pred_ctr_y - 0.5 * pred_h
    x2 = pred_ctr_x + 0.5 * pred_w
    y2 = pred_ctr_y + 0.5 * pred_h
    return jnp.stack([x1, y1, x2, y2], axis=1)


def box_iou(b1, b2):
    area1 = (b1[:, 2] - b1[:, 0]) * (b1[:, 3] - b1[:, 1])
    area2 = (b2[:, 2] - b2[:, 0]) * (b2[:, 3] - b2[:, 1])
    lt = jnp.maximum(b1[:, None, :2], b2[None, :, :2])
    rb = jnp.minimum(b1[:, None, 2:], b2[None, :, 2:])
    wh = jnp.maximum(rb - lt, 0.0)
    inter = wh[:, :, 0] * wh[:, :, 1]
    return inter / (area1[:, None] + area2[None, :] - inter)


def nms_greedy(boxes_sorted, k, iou_threshold):
    # exact greedy NMS on score-sorted boxes (single image -> batched_nms offsets are no-op)
    iou = jax.lax.stop_gradient(box_iou(boxes_sorted, boxes_sorted))
    idxs = jnp.arange(k)

    def body(i, keep):
        suppress = (iou[i] > iou_threshold) & (idxs > i) & keep[i]
        return keep & (~suppress)

    return jax.lax.fori_loop(0, k, body, jnp.ones((k,), dtype=bool))


def reference(anchors, objectness, pred_bbox_deltas):
    # RegionProposalNetwork proposal filtering (single image, single feature level)
    proposals = decode_single(pred_bbox_deltas, anchors)
    # clip_boxes_to_image
    x = jnp.clip(proposals[:, 0::2], 0.0, IMG_W)
    y = jnp.clip(proposals[:, 1::2], 0.0, IMG_H)
    boxes = jnp.stack([x[:, 0], y[:, 0], x[:, 1], y[:, 1]], axis=1)
    # remove_small_boxes (mask via -inf score to keep static shapes)
    ws = boxes[:, 2] - boxes[:, 0]
    hs = boxes[:, 3] - boxes[:, 1]
    valid = (ws >= MIN_SIZE) & (hs >= MIN_SIZE)
    scores = jnp.where(valid, objectness, -1e9)
    # pre-NMS top-k
    top_scores, top_idx = jax.lax.top_k(scores, PRE_NMS_TOP_N)
    top_boxes = boxes[top_idx]
    # greedy NMS
    keep = nms_greedy(top_boxes, PRE_NMS_TOP_N, NMS_THRESH)
    final_scores_all = jnp.where(keep, top_scores, -1e9)
    sel_scores, sel_idx = jax.lax.top_k(final_scores_all, POST_NMS_TOP_N)
    final_boxes = top_boxes[sel_idx]
    return final_boxes, sel_scores

if __name__ == "__main__":
    import jax
    _d = setup_inputs()
    print(jax.jit(kernel)(*tuple(_d.values())))

</pallas_src>

<mosaic_0001>
module attributes {stable_mosaic.version = 14 : i64} {
  func.func @_decode_body(%arg0: memref<8x20480xf32, #tpu.memory_space<vmem>>, %arg1: memref<8x20480xf32, #tpu.memory_space<vmem>>, %arg2: memref<1x20480xf32, #tpu.memory_space<vmem>>, %arg3: memref<8x20480xf32, #tpu.memory_space<vmem>>, %arg4: memref<1x20480xf32, #tpu.memory_space<vmem>>) attributes {dimension_semantics = [], scalar_prefetch = 0 : i64, scratch_operands = 0 : i64, tpu.core_type = #tpu.core_type<tc>} {
    %get3A = arith.constant 0 : index
    %get3A_0 = arith.constant 0 : index
    %get3A_1 = vector.load %arg0[%get3A, %get3A_0] : memref<8x20480xf32, #tpu.memory_space<vmem>>, vector<1x20480xf32>
    %get3A_2 = arith.constant 1 : index
    %get3A_3 = arith.constant 0 : index
    %get3A_4 = vector.load %arg0[%get3A_2, %get3A_3] : memref<8x20480xf32, #tpu.memory_space<vmem>>, vector<1x20480xf32>
    %get3A_5 = arith.constant 2 : index
    %get3A_6 = arith.constant 0 : index
    %get3A_7 = vector.load %arg0[%get3A_5, %get3A_6] : memref<8x20480xf32, #tpu.memory_space<vmem>>, vector<1x20480xf32>
    %get3A_8 = arith.constant 3 : index
    %get3A_9 = arith.constant 0 : index
    %get3A_10 = vector.load %arg0[%get3A_8, %get3A_9] : memref<8x20480xf32, #tpu.memory_space<vmem>>, vector<1x20480xf32>
    %sub3A = arith.subf %get3A_7, %get3A_1 : vector<1x20480xf32>
    %sub3A_11 = arith.subf %get3A_10, %get3A_4 : vector<1x20480xf32>
    %mul3A = arith.constant 5.000000e-01 : f32
    %mul3A_12 = vector.broadcast %mul3A : f32 to vector<1x20480xf32>
    %mul3A_13 = arith.mulf %mul3A_12, %sub3A : vector<1x20480xf32>
    %add3A = arith.addf %get3A_1, %mul3A_13 : vector<1x20480xf32>
    %mul3A_14 = arith.constant 5.000000e-01 : f32
    %mul3A_15 = vector.broadcast %mul3A_14 : f32 to vector<1x20480xf32>
    %mul3A_16 = arith.mulf %mul3A_15, %sub3A_11 : vector<1x20480xf32>
    %add3A_17 = arith.addf %get3A_4, %mul3A_16 : vector<1x20480xf32>
    %get3A_18 = arith.constant 0 : index
    %get3A_19 = arith.constant 0 : index
    %get3A_20 = vector.load %arg1[%get3A_18, %get3A_19] : memref<8x20480xf32, #tpu.memory_space<vmem>>, vector<1x20480xf32>
    %get3A_21 = arith.constant 1 : index
    %get3A_22 = arith.constant 0 : index
    %get3A_23 = vector.load %arg1[%get3A_21, %get3A_22] : memref<8x20480xf32, #tpu.memory_space<vmem>>, vector<1x20480xf32>
    %get3A_24 = arith.constant 2 : index
    %get3A_25 = arith.constant 0 : index
    %get3A_26 = vector.load %arg1[%get3A_24, %get3A_25] : memref<8x20480xf32, #tpu.memory_space<vmem>>, vector<1x20480xf32>
    %min3A = arith.constant 4.13516665 : f32
    %min3A_27 = vector.broadcast %min3A : f32 to vector<1x20480xf32>
    %min3A_28 = arith.minimumf %get3A_26, %min3A_27 : vector<1x20480xf32>
    %get3A_29 = arith.constant 3 : index
    %get3A_30 = arith.constant 0 : index
    %get3A_31 = vector.load %arg1[%get3A_29, %get3A_30] : memref<8x20480xf32, #tpu.memory_space<vmem>>, vector<1x20480xf32>
    %min3A_32 = arith.constant 4.13516665 : f32
    %min3A_33 = vector.broadcast %min3A_32 : f32 to vector<1x20480xf32>
    %min3A_34 = arith.minimumf %get3A_31, %min3A_33 : vector<1x20480xf32>
    %mul3A_35 = arith.mulf %get3A_20, %sub3A : vector<1x20480xf32>
    %add3A_36 = arith.addf %mul3A_35, %add3A : vector<1x20480xf32>
    %mul3A_37 = arith.mulf %get3A_23, %sub3A_11 : vector<1x20480xf32>
    %add3A_38 = arith.addf %mul3A_37, %add3A_17 : vector<1x20480xf32>
    %exp3A = math.exp %min3A_28 : vector<1x20480xf32>
    %mul3A_39 = arith.mulf %exp3A, %sub3A : vector<1x20480xf32>
    %exp3A_40 = math.exp %min3A_34 : vector<1x20480xf32>
    %mul3A_41 = arith.mulf %exp3A_40, %sub3A_11 : vector<1x20480xf32>
    %mul3A_42 = arith.constant 5.000000e-01 : f32
    %mul3A_43 = vector.broadcast %mul3A_42 : f32 to vector<1x20480xf32>
    %mul3A_44 = arith.mulf %mul3A_43, %mul3A_39 : vector<1x20480xf32>
    %sub3A_45 = arith.subf %add3A_36, %mul3A_44 : vector<1x20480xf32>
    %jit3A = arith.constant 0.000000e+00 : f32
    %jit3A_46 = arith.constant 1.333000e+03 : f32
    %max3A = vector.broadcast %jit3A : f32 to vector<1x20480xf32>
    %max3A_47 = arith.maximumf %max3A, %sub3A_45 : vector<1x20480xf32>
    %min3A_48 = vector.broadcast %jit3A_46 : f32 to vector<1x20480xf32>
    %min3A_49 = arith.minimumf %min3A_48, %max3A_47 : vector<1x20480xf32>
    %mul3A_50 = arith.constant 5.000000e-01 : f32
    %mul3A_51 = vector.broadcast %mul3A_50 : f32 to vector<1x20480xf32>
    %mul3A_52 = arith.mulf %mul3A_51, %mul3A_41 : vector<1x20480xf32>
    %sub3A_53 = arith.subf %add3A_38, %mul3A_52 : vector<1x20480xf32>
    %jit3A_54 = arith.constant 0.000000e+00 : f32
    %jit3A_55 = arith.constant 8.000000e+02 : f32
    %max3A_56 = vector.broadcast %jit3A_54 : f32 to vector<1x20480xf32>
    %max3A_57 = arith.maximumf %max3A_56, %sub3A_53 : vector<1x20480xf32>
    %min3A_58 = vector.broadcast %jit3A_55 : f32 to vector<1x20480xf32>
    %min3A_59 = arith.minimumf %min3A_58, %max3A_57 : vector<1x20480xf32>
    %mul3A_60 = arith.constant 5.000000e-01 : f32
    %mul3A_61 = vector.broadcast %mul3A_60 : f32 to vector<1x20480xf32>
    %mul3A_62 = arith.mulf %mul3A_61, %mul3A_39 : vector<1x20480xf32>
    %add3A_63 = arith.addf %add3A_36, %mul3A_62 : vector<1x20480xf32>
    %jit3A_64 = arith.constant 0.000000e+00 : f32
    %jit3A_65 = arith.constant 1.333000e+03 : f32
    %max3A_66 = vector.broadcast %jit3A_64 : f32 to vector<1x20480xf32>
    %max3A_67 = arith.maximumf %max3A_66, %add3A_63 : vector<1x20480xf32>
    %min3A_68 = vector.broadcast %jit3A_65 : f32 to vector<1x20480xf32>
    %min3A_69 = arith.minimumf %min3A_68, %max3A_67 : vector<1x20480xf32>
    %mul3A_70 = arith.constant 5.000000e-01 : f32
    %mul3A_71 = vector.broadcast %mul3A_70 : f32 to vector<1x20480xf32>
    %mul3A_72 = arith.mulf %mul3A_71, %mul3A_41 : vector<1x20480xf32>
    %add3A_73 = arith.addf %add3A_38, %mul3A_72 : vector<1x20480xf32>
    %jit3A_74 = arith.constant 0.000000e+00 : f32
    %jit3A_75 = arith.constant 8.000000e+02 : f32
    %max3A_76 = vector.broadcast %jit3A_74 : f32 to vector<1x20480xf32>
    %max3A_77 = arith.maximumf %max3A_76, %add3A_73 : vector<1x20480xf32>
    %min3A_78 = vector.broadcast %jit3A_75 : f32 to vector<1x20480xf32>
    %min3A_79 = arith.minimumf %min3A_78, %max3A_77 : vector<1x20480xf32>
    %sub3A_80 = arith.subf %min3A_69, %min3A_49 : vector<1x20480xf32>
    %ge3A = arith.constant 1.000000e-03 : f32
    %ge3A_81 = vector.broadcast %ge3A : f32 to vector<1x20480xf32>
    %ge3A_82 = arith.cmpf oge, %sub3A_80, %ge3A_81 : vector<1x20480xf32>
    %sub3A_83 = arith.subf %min3A_79, %min3A_59 : vector<1x20480xf32>
    %ge3A_84 = arith.constant 1.000000e-03 : f32
    %ge3A_85 = vector.broadcast %ge3A_84 : f32 to vector<1x20480xf32>
    %ge3A_86 = arith.cmpf oge, %sub3A_83, %ge3A_85 : vector<1x20480xf32>
    %and3A = arith.andi %ge3A_82, %ge3A_86 : vector<1x20480xi1>
    %swap3A = arith.constant 0 : index
    %swap3A_87 = arith.constant 0 : index
    %swap3A_88 = vector.load %arg3[%swap3A, %swap3A_87] : memref<8x20480xf32, #tpu.memory_space<vmem>>, vector<1x20480xf32>
    tpu.vector_store %arg3[%swap3A, %swap3A_87], %min3A_49 {strides = array<i32>} : memref<8x20480xf32, #tpu.memory_space<vmem>>, vector<1x20480xf32>,
    %swap3A_89 = arith.constant 1 : index
    %swap3A_90 = arith.constant 0 : index
    %swap3A_91 = vector.load %arg3[%swap3A_89, %swap3A_90] : memref<8x20480xf32, #tpu.memory_space<vmem>>, vector<1x20480xf32>
    tpu.vector_store %arg3[%swap3A_89, %swap3A_90], %min3A_59 {strides = array<i32>} : memref<8x20480xf32, #tpu.memory_space<vmem>>, vector<1x20480xf32>,
    %swap3A_92 = arith.constant 2 : index
    %swap3A_93 = arith.constant 0 : index
    %swap3A_94 = vector.load %arg3[%swap3A_92, %swap3A_93] : memref<8x20480xf32, #tpu.memory_space<vmem>>, vector<1x20480xf32>
    tpu.vector_store %arg3[%swap3A_92, %swap3A_93], %min3A_69 {strides = array<i32>} : memref<8x20480xf32, #tpu.memory_space<vmem>>, vector<1x20480xf32>,
    %swap3A_95 = arith.constant 3 : index
    %swap3A_96 = arith.constant 0 : index
    %swap3A_97 = vector.load %arg3[%swap3A_95, %swap3A_96] : memref<8x20480xf32, #tpu.memory_space<vmem>>, vector<1x20480xf32>
    tpu.vector_store %arg3[%swap3A_95, %swap3A_96], %min3A_79 {strides = array<i32>} : memref<8x20480xf32, #tpu.memory_space<vmem>>, vector<1x20480xf32>,
    %sub3A_98 = arith.subf %min3A_69, %min3A_49 : vector<1x20480xf32>
    %sub3A_99 = arith.subf %min3A_79, %min3A_59 : vector<1x20480xf32>
    %mul3A_100 = arith.mulf %sub3A_98, %sub3A_99 : vector<1x20480xf32>
    %swap3A_101 = arith.constant 4 : index
    %swap3A_102 = arith.constant 0 : index
    %swap3A_103 = vector.load %arg3[%swap3A_101, %swap3A_102] : memref<8x20480xf32, #tpu.memory_space<vmem>>, vector<1x20480xf32>
    tpu.vector_store %arg3[%swap3A_101, %swap3A_102], %mul3A_100 {strides = array<i32>} : memref<8x20480xf32, #tpu.memory_space<vmem>>, vector<1x20480xf32>,
    %broadcast_in_dim3A = arith.constant 0.000000e+00 : f32
    %broadcast_in_dim3A_104 = vector.broadcast %broadcast_in_dim3A : f32 to vector<3x20480xf32>
    %swap3A_105 = arith.constant 5 : index
    %swap3A_106 = arith.constant 0 : index
    %swap3A_107 = vector.load %arg3[%swap3A_105, %swap3A_106] : memref<8x20480xf32, #tpu.memory_space<vmem>>, vector<3x20480xf32>
    tpu.vector_store %arg3[%swap3A_105, %swap3A_106], %broadcast_in_dim3A_104 {strides = array<i32>} : memref<8x20480xf32, #tpu.memory_space<vmem>>, vector<3x20480xf32>,
    %get3A_108 = arith.constant 0 : index
    %get3A_109 = arith.constant 0 : index
    %get3A_110 = vector.load %arg2[%get3A_108, %get3A_109] : memref<1x20480xf32, #tpu.memory_space<vmem>>, vector<1x20480xf32>
    %jit3A_111 = arith.constant -1.000000e+09 : f32
    %broadcast_in_dim3A_112 = vector.broadcast %jit3A_111 : f32 to vector<1x20480xf32>
    %select_n3A = arith.select %and3A, %get3A_110, %broadcast_in_dim3A_112 : vector<1x20480xi1>, vector<1x20480xf32>
    %swap3A_113 = arith.constant 0 : index
    %swap3A_114 = arith.constant 0 : index
    %swap3A_115 = vector.load %arg4[%swap3A_113, %swap3A_114] : memref<1x20480xf32, #tpu.memory_space<vmem>>, vector<1x20480xf32>
    tpu.vector_store %arg4[%swap3A_113, %swap3A_114], %select_n3A {strides = array<i32>} : memref<1x20480xf32, #tpu.memory_space<vmem>>, vector<1x20480xf32>,
    return
  }
}

module attributes {stable_mosaic.version = 14 : i64} {
  func.func @_nms_body(%arg0: memref<2048x5xf32, #tpu.memory_space<vmem>>, %arg1: memref<5x8x256xf32, #tpu.memory_space<vmem>>, %arg2: memref<8x256xf32, #tpu.memory_space<vmem>>, %arg3: memref<8x256xf32, #tpu.memory_space<vmem>>, %arg4: memref<8x256xf32, #tpu.memory_space<vmem>>) attributes {dimension_semantics = [], scalar_prefetch = 0 : i64, scratch_operands = 0 : i64, tpu.core_type = #tpu.core_type<tc>} {
    %iota3A = tpu.iota {dimensions = array<i32: 1>} : vector<1x256xi32>
    %iota3A_0 = tpu.iota {dimensions = array<i32: 0>} : vector<256x1xi32>
    %scan3A = arith.constant 0 : i32
    %scan3A_1 = arith.constant 8 : i32
    %scan3A_2 = arith.addi %scan3A, %scan3A_1 : i32
    %scan3A_3 = arith.constant 1 : i32
    scf.for %scan3A_5 = %scan3A to %scan3A_2 step %scan3A_3  : i32 {
      %get3A = arith.constant 0 : index
      %get3A_6 = arith.index_cast %scan3A_5 : i32 to index
      %get3A_7 = arith.constant 0 : index
      %get3A_8 = vector.load %arg1[%get3A, %get3A_6, %get3A_7] : memref<5x8x256xf32, #tpu.memory_space<vmem>>, vector<1x1x256xf32>
      %reshape3A = vector.shape_cast %get3A_8 : vector<1x1x256xf32> to vector<1x256xf32>
      %get3A_9 = arith.constant 1 : index
      %get3A_10 = arith.index_cast %scan3A_5 : i32 to index
      %get3A_11 = arith.constant 0 : index
      %get3A_12 = vector.load %arg1[%get3A_9, %get3A_10, %get3A_11] : memref<5x8x256xf32, #tpu.memory_space<vmem>>, vector<1x1x256xf32>
      %reshape3A_13 = vector.shape_cast %get3A_12 : vector<1x1x256xf32> to vector<1x256xf32>
      %get3A_14 = arith.constant 2 : index
      %get3A_15 = arith.index_cast %scan3A_5 : i32 to index
      %get3A_16 = arith.constant 0 : index
      %get3A_17 = vector.load %arg1[%get3A_14, %get3A_15, %get3A_16] : memref<5x8x256xf32, #tpu.memory_space<vmem>>, vector<1x1x256xf32>
      %reshape3A_18 = vector.shape_cast %get3A_17 : vector<1x1x256xf32> to vector<1x256xf32>
      %get3A_19 = arith.constant 3 : index
      %get3A_20 = arith.index_cast %scan3A_5 : i32 to index
      %get3A_21 = arith.constant 0 : index
      %get3A_22 = vector.load %arg1[%get3A_19, %get3A_20, %get3A_21] : memref<5x8x256xf32, #tpu.memory_space<vmem>>, vector<1x1x256xf32>
      %reshape3A_23 = vector.shape_cast %get3A_22 : vector<1x1x256xf32> to vector<1x256xf32>
      %get3A_24 = arith.constant 4 : index
      %get3A_25 = arith.index_cast %scan3A_5 : i32 to index
      %get3A_26 = arith.constant 0 : index
      %get3A_27 = vector.load %arg1[%get3A_24, %get3A_25, %get3A_26] : memref<5x8x256xf32, #tpu.memory_space<vmem>>, vector<1x1x256xf32>
      %reshape3A_28 = vector.shape_cast %get3A_27 : vector<1x1x256xf32> to vector<1x256xf32>
      %broadcast_in_dim3A = arith.constant 0.000000e+00 : f32
      %broadcast_in_dim3A_29 = vector.broadcast %broadcast_in_dim3A : f32 to vector<1x256xf32>
      %while3A = arith.constant 0 : i32
      %while3A_30 = arith.subi %scan3A_5, %while3A : i32
      %while3A_31 = arith.addi %while3A, %while3A_30 : i32
      %while3A_32 = arith.constant 1 : i32
      %while3A_33 = arith.divsi %while3A_30, %while3A_32 : i32
      %while3A_34 = arith.muli %while3A_33, %while3A_32 : i32
      %while3A_35 = arith.addi %while3A, %while3A_34 : i32
      %while3A_36 = arith.constant 1 : i32
      %while3A_37 = scf.for %while3A_100 = %while3A to %while3A_35 step %while3A_36 iter_args(%while3A_101 = %broadcast_in_dim3A_29) -> (vector<1x256xf32>)  : i32 {
        %mul3A_102 = arith.constant 256 : i32
        %mul3A_103 = arith.muli %while3A_100, %mul3A_102 : i32
        %get3A_104 = arith.index_cast %mul3A_103 : i32 to index
        %get3A_105 = arith.constant 0 : index
        %get3A_106 = vector.load %arg0[%get3A_104, %get3A_105] : memref<2048x5xf32, #tpu.memory_space<vmem>>, vector<256x5xf32>
        %slice3A_107 = vector.extract_strided_slice %get3A_106 {offsets = [0, 0], sizes = [256, 1], strides = [1, 1]} : vector<256x5xf32> to vector<256x1xf32>
        %slice3A_108 = vector.extract_strided_slice %get3A_106 {offsets = [0, 1], sizes = [256, 1], strides = [1, 1]} : vector<256x5xf32> to vector<256x1xf32>
        %slice3A_109 = vector.extract_strided_slice %get3A_106 {offsets = [0, 2], sizes = [256, 1], strides = [1, 1]} : vector<256x5xf32> to vector<256x1xf32>
        %slice3A_110 = vector.extract_strided_slice %get3A_106 {offsets = [0, 3], sizes = [256, 1], strides = [1, 1]} : vector<256x5xf32> to vector<256x1xf32>
        %slice3A_111 = vector.extract_strided_slice %get3A_106 {offsets = [0, 4], sizes = [256, 1], strides = [1, 1]} : vector<256x5xf32> to vector<256x1xf32>
        %min3A_112 = vector.broadcast %slice3A_109 : vector<256x1xf32> to vector<256x256xf32>
        %min3A_113 = vector.broadcast %reshape3A_18 : vector<1x256xf32> to vector<256x256xf32>
        %min3A_114 = arith.minimumf %min3A_112, %min3A_113 : vector<256x256xf32>
        %max3A_115 = vector.broadcast %slice3A_107 : vector<256x1xf32> to vector<256x256xf32>
        %max3A_116 = vector.broadcast %reshape3A : vector<1x256xf32> to vector<256x256xf32>
        %max3A_117 = arith.maximumf %max3A_115, %max3A_116 : vector<256x256xf32>
        %sub3A_118 = arith.subf %min3A_114, %max3A_117 : vector<256x256xf32>
        %max3A_119 = arith.constant 0.000000e+00 : f32
        %max3A_120 = vector.broadcast %max3A_119 : f32 to vector<256x256xf32>
        %max3A_121 = arith.maximumf %sub3A_118, %max3A_120 : vector<256x256xf32>
        %min3A_122 = vector.broadcast %slice3A_110 : vector<256x1xf32> to vector<256x256xf32>
        %min3A_123 = vector.broadcast %reshape3A_23 : vector<1x256xf32> to vector<256x256xf32>
        %min3A_124 = arith.minimumf %min3A_122, %min3A_123 : vector<256x256xf32>
        %max3A_125 = vector.broadcast %slice3A_108 : vector<256x1xf32> to vector<256x256xf32>
        %max3A_126 = vector.broadcast %reshape3A_13 : vector<1x256xf32> to vector<256x256xf32>
        %max3A_127 = arith.maximumf %max3A_125, %max3A_126 : vector<256x256xf32>
        %sub3A_128 = arith.subf %min3A_124, %max3A_127 : vector<256x256xf32>
        %max3A_129 = arith.constant 0.000000e+00 : f32
        %max3A_130 = vector.broadcast %max3A_129 : f32 to vector<256x256xf32>
        %max3A_131 = arith.maximumf %sub3A_128, %max3A_130 : vector<256x256xf32>
        %mul3A_132 = arith.mulf %max3A_121, %max3A_131 : vector<256x256xf32>
        %add3A_133 = vector.broadcast %slice3A_111 : vector<256x1xf32> to vector<256x256xf32>
        %add3A_134 = vector.broadcast %reshape3A_28 : vector<1x256xf32> to vector<256x256xf32>
        %add3A_135 = arith.addf %add3A_133, %add3A_134 : vector<256x256xf32>
        %sub3A_136 = arith.subf %add3A_135, %mul3A_132 : vector<256x256xf32>
        %div3A_137 = arith.divf %mul3A_132, %sub3A_136 : vector<256x256xf32>
        %gt3A_138 = arith.constant 0.699999988 : f32
        %gt3A_139 = vector.broadcast %gt3A_138 : f32 to vector<256x256xf32>
        %gt3A_140 = arith.cmpf ogt, %div3A_137, %gt3A_139 : vector<256x256xf32>
        %jit3A_141 = arith.constant 1.000000e+00 : f32
        %jit3A_142 = arith.constant 0.000000e+00 : f32
        %broadcast_in_dim3A_143 = vector.broadcast %jit3A_141 : f32 to vector<256x256xf32>
        %broadcast_in_dim3A_144 = vector.broadcast %jit3A_142 : f32 to vector<256x256xf32>
        %select_n3A_145 = arith.select %gt3A_140, %broadcast_in_dim3A_143, %broadcast_in_dim3A_144 : vector<256x256xi1>, vector<256x256xf32>
        %get3A_146 = arith.index_cast %while3A_100 : i32 to index
        %get3A_147 = arith.constant 0 : index
        %get3A_148 = vector.load %arg3[%get3A_146, %get3A_147] : memref<8x256xf32, #tpu.memory_space<vmem>>, vector<1x256xf32>
        %dot_general3A = arith.constant dense<0.000000e+00> : vector<1x256xf32>
        %dot_general3A_149 = tpu.matmul %get3A_148, %select_n3A_145, %dot_general3A {dimension_numbers = #tpu.dot_dimension_numbers<[1], [0], [0], [1], [0, 0, 1, 1], [], []>, transpose_lhs_hint = false} : vector<1x256xf32>, vector<256x256xf32>, vector<1x256xf32> -> vector<1x256xf32>
        %add3A_150 = arith.addf %while3A_101, %dot_general3A_149 : vector<1x256xf32>
        scf.yield %add3A_150 : vector<1x256xf32>
      }
      %while3A_38 = arith.constant 1 : i32
      %while3A_39 = scf.for %while3A_100 = %while3A_35 to %while3A_31 step %while3A_38 iter_args(%while3A_101 = %while3A_37) -> (vector<1x256xf32>)  : i32 {
        %mul3A_102 = arith.constant 256 : i32
        %mul3A_103 = arith.muli %while3A_100, %mul3A_102 : i32
        %get3A_104 = arith.index_cast %mul3A_103 : i32 to index
        %get3A_105 = arith.constant 0 : index
        %get3A_106 = vector.load %arg0[%get3A_104, %get3A_105] : memref<2048x5xf32, #tpu.memory_space<vmem>>, vector<256x5xf32>
        %slice3A_107 = vector.extract_strided_slice %get3A_106 {offsets = [0, 0], sizes = [256, 1], strides = [1, 1]} : vector<256x5xf32> to vector<256x1xf32>
        %slice3A_108 = vector.extract_strided_slice %get3A_106 {offsets = [0, 1], sizes = [256, 1], strides = [1, 1]} : vector<256x5xf32> to vector<256x1xf32>
        %slice3A_109 = vector.extract_strided_slice %get3A_106 {offsets = [0, 2], sizes = [256, 1], strides = [1, 1]} : vector<256x5xf32> to vector<256x1xf32>
        %slice3A_110 = vector.extract_strided_slice %get3A_106 {offsets = [0, 3], sizes = [256, 1], strides = [1, 1]} : vector<256x5xf32> to vector<256x1xf32>
        %slice3A_111 = vector.extract_strided_slice %get3A_106 {offsets = [0, 4], sizes = [256, 1], strides = [1, 1]} : vector<256x5xf32> to vector<256x1xf32>
        %min3A_112 = vector.broadcast %slice3A_109 : vector<256x1xf32> to vector<256x256xf32>
        %min3A_113 = vector.broadcast %reshape3A_18 : vector<1x256xf32> to vector<256x256xf32>
        %min3A_114 = arith.minimumf %min3A_112, %min3A_113 : vector<256x256xf32>
        %max3A_115 = vector.broadcast %slice3A_107 : vector<256x1xf32> to vector<256x256xf32>
        %max3A_116 = vector.broadcast %reshape3A : vector<1x256xf32> to vector<256x256xf32>
        %max3A_117 = arith.maximumf %max3A_115, %max3A_116 : vector<256x256xf32>
        %sub3A_118 = arith.subf %min3A_114, %max3A_117 : vector<256x256xf32>
        %max3A_119 = arith.constant 0.000000e+00 : f32
        %max3A_120 = vector.broadcast %max3A_119 : f32 to vector<256x256xf32>
        %max3A_121 = arith.maximumf %sub3A_118, %max3A_120 : vector<256x256xf32>
        %min3A_122 = vector.broadcast %slice3A_110 : vector<256x1xf32> to vector<256x256xf32>
        %min3A_123 = vector.broadcast %reshape3A_23 : vector<1x256xf32> to vector<256x256xf32>
        %min3A_124 = arith.minimumf %min3A_122, %min3A_123 : vector<256x256xf32>
        %max3A_125 = vector.broadcast %slice3A_108 : vector<256x1xf32> to vector<256x256xf32>
        %max3A_126 = vector.broadcast %reshape3A_13 : vector<1x256xf32> to vector<256x256xf32>
        %max3A_127 = arith.maximumf %max3A_125, %max3A_126 : vector<256x256xf32>
        %sub3A_128 = arith.subf %min3A_124, %max3A_127 : vector<256x256xf32>
        %max3A_129 = arith.constant 0.000000e+00 : f32
        %max3A_130 = vector.broadcast %max3A_129 : f32 to vector<256x256xf32>
        %max3A_131 = arith.maximumf %sub3A_128, %max3A_130 : vector<256x256xf32>
        %mul3A_132 = arith.mulf %max3A_121, %max3A_131 : vector<256x256xf32>
        %add3A_133 = vector.broadcast %slice3A_111 : vector<256x1xf32> to vector<256x256xf32>
        %add3A_134 = vector.broadcast %reshape3A_28 : vector<1x256xf32> to vector<256x256xf32>
        %add3A_135 = arith.addf %add3A_133, %add3A_134 : vector<256x256xf32>
        %sub3A_136 = arith.subf %add3A_135, %mul3A_132 : vector<256x256xf32>
        %div3A_137 = arith.divf %mul3A_132, %sub3A_136 : vector<256x256xf32>
        %gt3A_138 = arith.constant 0.699999988 : f32
        %gt3A_139 = vector.broadcast %gt3A_138 : f32 to vector<256x256xf32>
        %gt3A_140 = arith.cmpf ogt, %div3A_137, %gt3A_139 : vector<256x256xf32>
        %jit3A_141 = arith.constant 1.000000e+00 : f32
        %jit3A_142 = arith.constant 0.000000e+00 : f32
        %broadcast_in_dim3A_143 = vector.broadcast %jit3A_141 : f32 to vector<256x256xf32>
        %broadcast_in_dim3A_144 = vector.broadcast %jit3A_142 : f32 to vector<256x256xf32>
        %select_n3A_145 = arith.select %gt3A_140, %broadcast_in_dim3A_143, %broadcast_in_dim3A_144 : vector<256x256xi1>, vector<256x256xf32>
        %get3A_146 = arith.index_cast %while3A_100 : i32 to index
        %get3A_147 = arith.constant 0 : index
        %get3A_148 = vector.load %arg3[%get3A_146, %get3A_147] : memref<8x256xf32, #tpu.memory_space<vmem>>, vector<1x256xf32>
        %dot_general3A = arith.constant dense<0.000000e+00> : vector<1x256xf32>
        %dot_general3A_149 = tpu.matmul %get3A_148, %select_n3A_145, %dot_general3A {dimension_numbers = #tpu.dot_dimension_numbers<[1], [0], [0], [1], [0, 0, 1, 1], [], []>, transpose_lhs_hint = false} : vector<1x256xf32>, vector<256x256xf32>, vector<1x256xf32> -> vector<1x256xf32>
        %add3A_150 = arith.addf %while3A_101, %dot_general3A_149 : vector<1x256xf32>
        scf.yield %add3A_150 : vector<1x256xf32>
      }
      %gt3A = arith.constant 0.000000e+00 : f32
      %gt3A_40 = vector.broadcast %gt3A : f32 to vector<1x256xf32>
      %gt3A_41 = arith.cmpf ogt, %while3A_39, %gt3A_40 : vector<1x256xf32>
      %jit3A = arith.constant 0.000000e+00 : f32
      %jit3A_42 = arith.constant 1.000000e+00 : f32
      %broadcast_in_dim3A_43 = vector.broadcast %jit3A : f32 to vector<1x256xf32>
      %broadcast_in_dim3A_44 = vector.broadcast %jit3A_42 : f32 to vector<1x256xf32>
      %select_n3A = arith.select %gt3A_41, %broadcast_in_dim3A_43, %broadcast_in_dim3A_44 : vector<1x256xi1>, vector<1x256xf32>
      %mul3A = arith.constant 256 : i32
      %mul3A_45 = arith.muli %scan3A_5, %mul3A : i32
      %get3A_46 = arith.index_cast %mul3A_45 : i32 to index
      %get3A_47 = arith.constant 0 : index
      %get3A_48 = vector.load %arg0[%get3A_46, %get3A_47] : memref<2048x5xf32, #tpu.memory_space<vmem>>, vector<256x5xf32>
      %slice3A = vector.extract_strided_slice %get3A_48 {offsets = [0, 0], sizes = [256, 1], strides = [1, 1]} : vector<256x5xf32> to vector<256x1xf32>
      %slice3A_49 = vector.extract_strided_slice %get3A_48 {offsets = [0, 1], sizes = [256, 1], strides = [1, 1]} : vector<256x5xf32> to vector<256x1xf32>
      %slice3A_50 = vector.extract_strided_slice %get3A_48 {offsets = [0, 2], sizes = [256, 1], strides = [1, 1]} : vector<256x5xf32> to vector<256x1xf32>
      %slice3A_51 = vector.extract_strided_slice %get3A_48 {offsets = [0, 3], sizes = [256, 1], strides = [1, 1]} : vector<256x5xf32> to vector<256x1xf32>
      %slice3A_52 = vector.extract_strided_slice %get3A_48 {offsets = [0, 4], sizes = [256, 1], strides = [1, 1]} : vector<256x5xf32> to vector<256x1xf32>
      %min3A = vector.broadcast %slice3A_50 : vector<256x1xf32> to vector<256x256xf32>
      %min3A_53 = vector.broadcast %reshape3A_18 : vector<1x256xf32> to vector<256x256xf32>
      %min3A_54 = arith.minimumf %min3A, %min3A_53 : vector<256x256xf32>
      %max3A = vector.broadcast %slice3A : vector<256x1xf32> to vector<256x256xf32>
      %max3A_55 = vector.broadcast %reshape3A : vector<1x256xf32> to vector<256x256xf32>
      %max3A_56 = arith.maximumf %max3A, %max3A_55 : vector<256x256xf32>
      %sub3A = arith.subf %min3A_54, %max3A_56 : vector<256x256xf32>
      %max3A_57 = arith.constant 0.000000e+00 : f32
      %max3A_58 = vector.broadcast %max3A_57 : f32 to vector<256x256xf32>
      %max3A_59 = arith.maximumf %sub3A, %max3A_58 : vector<256x256xf32>
      %min3A_60 = vector.broadcast %slice3A_51 : vector<256x1xf32> to vector<256x256xf32>
      %min3A_61 = vector.broadcast %reshape3A_23 : vector<1x256xf32> to vector<256x256xf32>
      %min3A_62 = arith.minimumf %min3A_60, %min3A_61 : vector<256x256xf32>
      %max3A_63 = vector.broadcast %slice3A_49 : vector<256x1xf32> to vector<256x256xf32>
      %max3A_64 = vector.broadcast %reshape3A_13 : vector<1x256xf32> to vector<256x256xf32>
      %max3A_65 = arith.maximumf %max3A_63, %max3A_64 : vector<256x256xf32>
      %sub3A_66 = arith.subf %min3A_62, %max3A_65 : vector<256x256xf32>
      %max3A_67 = arith.constant 0.000000e+00 : f32
      %max3A_68 = vector.broadcast %max3A_67 : f32 to vector<256x256xf32>
      %max3A_69 = arith.maximumf %sub3A_66, %max3A_68 : vector<256x256xf32>
      %mul3A_70 = arith.mulf %max3A_59, %max3A_69 : vector<256x256xf32>
      %add3A = vector.broadcast %slice3A_52 : vector<256x1xf32> to vector<256x256xf32>
      %add3A_71 = vector.broadcast %reshape3A_28 : vector<1x256xf32> to vector<256x256xf32>
      %add3A_72 = arith.addf %add3A, %add3A_71 : vector<256x256xf32>
      %sub3A_73 = arith.subf %add3A_72, %mul3A_70 : vector<256x256xf32>
      %div3A = arith.divf %mul3A_70, %sub3A_73 : vector<256x256xf32>
      %gt3A_74 = arith.constant 0.699999988 : f32
      %gt3A_75 = vector.broadcast %gt3A_74 : f32 to vector<256x256xf32>
      %gt3A_76 = arith.cmpf ogt, %div3A, %gt3A_75 : vector<256x256xf32>
      %lt3A = vector.broadcast %iota3A_0 : vector<256x1xi32> to vector<256x256xi32>
      %lt3A_77 = vector.broadcast %iota3A : vector<1x256xi32> to vector<256x256xi32>
      %lt3A_78 = arith.cmpi slt, %lt3A, %lt3A_77 : vector<256x256xi32>
      %and3A = arith.andi %gt3A_76, %lt3A_78 : vector<256x256xi1>
      %jit3A_79 = arith.constant 1.000000e+00 : f32
      %jit3A_80 = arith.constant 0.000000e+00 : f32
      %broadcast_in_dim3A_81 = vector.broadcast %jit3A_79 : f32 to vector<256x256xf32>
      %broadcast_in_dim3A_82 = vector.broadcast %jit3A_80 : f32 to vector<256x256xf32>
      %select_n3A_83 = arith.select %and3A, %broadcast_in_dim3A_81, %broadcast_in_dim3A_82 : vector<256x256xi1>, vector<256x256xf32>
      %while3A_84 = arith.constant true
      %while3A_85:2 = scf.while (%while3A_100 = %select_n3A, %while3A_101 = %while3A_84) : (vector<1x256xf32>, i1) -> (vector<1x256xf32>, i1) {
        scf.condition(%while3A_101) %while3A_100, %while3A_101 : vector<1x256xf32>, i1
      } do {
      ^bb0(%while3A_100: vector<1x256xf32>, %while3A_101: i1):
        %dot_general3A = arith.constant dense<0.000000e+00> : vector<1x256xf32>
        %dot_general3A_102 = tpu.matmul %while3A_100, %select_n3A_83, %dot_general3A {dimension_numbers = #tpu.dot_dimension_numbers<[1], [0], [0], [1], [0, 0, 1, 1], [], []>, transpose_lhs_hint = false} : vector<1x256xf32>, vector<256x256xf32>, vector<1x256xf32> -> vector<1x256xf32>
        %gt3A_103 = arith.constant 0.000000e+00 : f32
        %gt3A_104 = vector.broadcast %gt3A_103 : f32 to vector<1x256xf32>
        %gt3A_105 = arith.cmpf ogt, %dot_general3A_102, %gt3A_104 : vector<1x256xf32>
        %jit3A_106 = arith.constant 0.000000e+00 : f32
        %broadcast_in_dim3A_107 = vector.broadcast %jit3A_106 : f32 to vector<1x256xf32>
        %select_n3A_108 = arith.select %gt3A_105, %broadcast_in_dim3A_107, %select_n3A : vector<1x256xi1>, vector<1x256xf32>
        %ne3A = arith.cmpf one, %select_n3A_108, %while3A_100 : vector<1x256xf32>
        %reduce_or3A = arith.constant 1.000000e+00 : f32
        %reduce_or3A_109 = arith.constant 0.000000e+00 : f32
        %reduce_or3A_110 = vector.broadcast %reduce_or3A : f32 to vector<1x256xf32>
        %reduce_or3A_111 = vector.broadcast %reduce_or3A_109 : f32 to vector<1x256xf32>
        %reduce_or3A_112 = arith.select %ne3A, %reduce_or3A_110, %reduce_or3A_111 : vector<1x256xi1>, vector<1x256xf32>
        %reduce_or3A_113 = vector.shape_cast %reduce_or3A_112 : vector<1x256xf32> to vector<1x1x256xf32>
        %reduce_or3A_114 = arith.constant dense<0xFF800000> : vector<1xf32>
        %reduce_or3A_115 = vector.multi_reduction <maximumf>, %reduce_or3A_113, %reduce_or3A_114 [1, 2] : vector<1x1x256xf32> to vector<1xf32>
        %reduce_or3A_116 = vector.shape_cast %reduce_or3A_115 : vector<1xf32> to vector<1x1x1xf32>
        %reduce_or3A_117 = vector.extract %reduce_or3A_116[0, 0, 0] : f32 from vector<1x1x1xf32>
        %reduce_or3A_118 = arith.constant 0.000000e+00 : f32
        %reduce_or3A_119 = arith.cmpf ogt, %reduce_or3A_117, %reduce_or3A_118 : f32
        scf.yield %select_n3A_108, %reduce_or3A_119 : vector<1x256xf32>, i1
      }
      %swap3A = arith.index_cast %scan3A_5 : i32 to index
      %swap3A_86 = arith.constant 0 : index
      %swap3A_87 = vector.load %arg3[%swap3A, %swap3A_86] : memref<8x256xf32, #tpu.memory_space<vmem>>, vector<1x256xf32>
      tpu.vector_store %arg3[%swap3A, %swap3A_86], %while3A_85#0 {strides = array<i32>} : memref<8x256xf32, #tpu.memory_space<vmem>>, vector<1x256xf32>,
      %gt3A_88 = arith.constant 5.000000e-01 : f32
      %gt3A_89 = vector.broadcast %gt3A_88 : f32 to vector<1x256xf32>
      %gt3A_90 = arith.cmpf ogt, %while3A_85#0, %gt3A_89 : vector<1x256xf32>
      %get3A_91 = arith.index_cast %scan3A_5 : i32 to index
      %get3A_92 = arith.constant 0 : index
      %get3A_93 = vector.load %arg2[%get3A_91, %get3A_92] : memref<8x256xf32, #tpu.memory_space<vmem>>, vector<1x256xf32>
      %jit3A_94 = arith.constant -1.000000e+09 : f32
      %broadcast_in_dim3A_95 = vector.broadcast %jit3A_94 : f32 to vector<1x256xf32>
      %select_n3A_96 = arith.select %gt3A_90, %get3A_93, %broadcast_in_dim3A_95 : vector<1x256xi1>, vector<1x256xf32>
      %swap3A_97 = arith.index_cast %scan3A_5 : i32 to index
      %swap3A_98 = arith.constant 0 : index
      %swap3A_99 = vector.load %arg4[%swap3A_97, %swap3A_98] : memref<8x256xf32, #tpu.memory_space<vmem>>, vector<1x256xf32>
      tpu.vector_store %arg4[%swap3A_97, %swap3A_98], %select_n3A_96 {strides = array<i32>} : memref<8x256xf32, #tpu.memory_space<vmem>>, vector<1x256xf32>,
    }
    %scan3A_4 = arith.constant 8 : i32
    return
  }
}

</mosaic_0001>

<sc_bundles>
// kernel: gather_offload_async_start
scs
__scs_entry_jumppad:
0x0: {  	(pc) =	sbr.rel $0x88, $3  }
0x1: {  	(tag) =	ssettag $0x0;
	lr =	simm.s32 $0x1  }
0x2: {  	[smem:$0x3F9E] =	sst lr;
	_ =	strace $0xD0000000  }
0x3: {  	_ = 	snop  }
0x4: {  	_ = 	snop  }
0x5: {  	_ = 	snop  }
0x6: {  	_ = 	snop  }
0x7: {  	_ = 	snop  }
__scs_overlays_trampoline_lowered:
0x8: {  	[smem:$0x3FAD] =	sst s0  }
0x9: {  	[smem:$0x3FAE] =	sst s1  }
0xa: {  	[smem:$0x3FAF] =	sst s2  }
0xb: {  	[smem:$0x3FB0] =	sst s3  }
0xc: {  	[smem:$0x3FB1] =	sst s4  }
0xd: {  	[smem:$0x3FB2] =	sst s5  }
0xe: {  	[smem:$0x3FB3] =	sst s6  }
0xf: {  	[smem:$0x3FB4] =	sst s7  }
0x10: {  	[smem:$0x3FB5] =	sst s8  }
0x11: {  	[smem:$0x3FB6] =	sst s9;
	s0 =	simm.s32 @!p0 $0x0  }
0x12: {  	s1 =	sld [smem:$0x3F9C];
	s0 =	simm.s32 @p0 $0x1  }
0x13: {  	[smem:$0x3FB7] =	sst s0;
	s0 =	simm.s32 @!p1 $0x0  }
0x14: {  	s2 =	sld [smem:$0x3F9B];
	s0 =	simm.s32 @p1 $0x1  }
0x15: {  	[smem:$0x3FB8] =	sst s0;
	s0 =	simm.s32 @!p2 $0x0  }
0x16: {  	s3 =	sld [smem:$0x3FDB];
	s0 =	simm.s32 @p2 $0x1  }
0x17: {  	s4 =	simm.s32 $0x1BF5;
	[smem:$0x3FBA] =	sst s0  }
0x18: {  	s0 =	sld [smem:$0x3F9D];
	_ =	swait.ge [sflag:s4], $0x0  }
0x19: {  	s7 =	sld [smem:$0x3F9E]  }
0x1a: {  	s8 =	sadd.s32 $0xFFFFE003, lr  }
0x1b: {  	s9 =	sadd.s32 $0xFFFFFEF7, lr;
	s5 =	simm.s32 $0xFFFFFFFF;
	p2 =	slt.u32 s8, $0xFFFFF086  }
0x1c: {  	p1 =	slt.u32 s9, $0xF7A;
	s5 =	simm.s32 @!p2 $0x0  }
0x1d: {  	s5 =	simm.s32 @p1 $0x1;
	p0 =	seq.s32 s7, s2  }
0x1e: {  	s7 =	smul.u32 @!p0 $0xF7A, s2;
	p2 =	seq.s32 @!p0 s5, $0x0  }
0x1f: {  	s9 =	smul.u32 $0xF7A, s1;
	s8 =	simm.s32 @!p0 $0x1BF5;
	p2 =	por !p2, p0  }
0x20: {  	[sflag:s8] =	ssyncset.s32 @!p0 $0xFFFFF086;
	s6 =	sadd.s32 @!p0 s3, s7;
	s7 =	simm.s32 @!p0 $0x108  }
0x21: {  	s3 =	sadd.s32 s3, s9;
	s6 =	sadd.s32 @!p0 $0x88, s6;
	s7 =	simm.s32 @p2 $0x1082  }
0x22: {  	[simem:s7], [sflag:s8] =	dma.local @!p0 [hbm:s6], $0xF7A  }
0x23: {  	s9 =	sor.u32 $0xD0000000, s2;
	s6 =	simm.s32 $0x108;
	_ =	swait.ge @!p0 [sflag:s8], $0x0  }
0x24: {  	s3 =	sadd.s32 $0x88, s3;
	s6 =	simm.s32 @!p1 $0x1082;
	[sflag:s4] =	ssyncset.s32 $0xFFFFF086  }
0x25: {  	[simem:s6], [sflag:s4] =	dma.local [hbm:s3], $0xF7A  }
0x26: {  	[smem:$0x3F9E] =	sst s1;
	(tag) =	ssettag s2;
	_ =	strace s9  }
0x27: {  	s1 =	sld [smem:$0x3FAE]  }
0x28: {  	s2 =	sld [smem:$0x3FAF]  }
0x29: {  	s4 =	sld [smem:$0x3FB1]  }
0x2a: {  	p0 =	seq.s32 s5, $0x0;
	s5 =	sld [smem:$0x3FB2]  }
0x2b: {  	s6 =	sld [smem:$0x3FB3]  }
0x2c: {  	s7 =	sld [smem:$0x3FB4]  }
0x2d: {  	s3 =	simm.s32 $0x108;
	s8 =	sld [smem:$0x3FB5]  }
0x2e: {  	s3 =	simm.s32 @!p0 $0x1082;
	s9 =	sld [smem:$0x3FB6]  }
0x2f: {  	lr =	sadd.s32 s0, s3;
	s0 =	sld [smem:$0x3FAD]  }
0x30: {  	s3 =	sld [smem:$0x3FB0]  }
0x31: {  	[smem:$0x3FB9] =	sst s10  }
0x32: {  	s10 =	sld [smem:$0x3FB7];
	_ =	sdelay $0x3  }
0x33: {  	p0 =	seq.s32 s10, $0x1;
	s10 =	sld [smem:$0x3FB9];
	_ =	sdelay $0x3  }
0x34: {  	[smem:$0x3FB9] =	sst s10  }
0x35: {  	s10 =	sld [smem:$0x3FB8];
	_ =	sdelay $0x3  }
0x36: {  	p1 =	seq.s32 s10, $0x1;
	s10 =	sld [smem:$0x3FB9];
	_ =	sdelay $0x3  }
0x37: {  	[smem:$0x3FB9] =	sst s10  }
0x38: {  	s10 =	sld [smem:$0x3FBA]  }
0x39: {  	_ = 	snop;
	(pc) =	sbr.ind lr, $3  }
0x3a: {  	_ = 	snop  }
0x3b: {  	_ = 	snop  }
0x3c: {  	p2 =	seq.s32 s10, $0x1;
	s10 =	sld [smem:$0x3FB9]  }
0x3d: {  	_ =	shalt  }
0x3e: {  	_ =	shalt  }
0x3f: {  	_ =	shalt  }
0x40: {  	_ =	shalt  }
0x41: {  	_ =	shalt  }
0x42: {  	_ =	shalt  }
0x43: {  	_ =	shalt  }
0x44: {  	_ =	shalt  }
0x45: {  	_ =	shalt  }
0x46: {  	_ =	shalt  }
0x47: {  	_ =	shalt  }
0x48: {  	_ =	shalt  }
0x49: {  	_ =	shalt  }
0x4a: {  	_ =	shalt  }
0x4b: {  	_ =	shalt  }
0x4c: {  	_ =	shalt  }
0x4d: {  	_ =	shalt  }
0x4e: {  	_ =	shalt  }
0x4f: {  	_ =	shalt  }
0x50: {  	_ =	shalt  }
0x51: {  	_ =	shalt  }
0x52: {  	_ =	shalt  }
0x53: {  	_ =	shalt  }
0x54: {  	_ =	shalt  }
0x55: {  	_ =	shalt  }
0x56: {  	_ =	shalt  }
0x57: {  	_ =	shalt  }
0x58: {  	_ =	shalt  }
0x59: {  	_ =	shalt  }
0x5a: {  	_ =	shalt  }
0x5b: {  	_ =	shalt  }
0x5c: {  	_ =	shalt  }
0x5d: {  	_ =	shalt  }
0x5e: {  	_ =	shalt  }
0x5f: {  	_ =	shalt  }
0x60: {  	_ =	shalt  }
0x61: {  	_ =	shalt  }
0x62: {  	_ =	shalt  }
0x63: {  	_ =	shalt  }
0x64: {  	_ =	shalt  }
0x65: {  	_ =	shalt  }
0x66: {  	_ =	shalt  }
0x67: {  	_ =	shalt  }
0x68: {  	_ =	shalt  }
0x69: {  	_ =	shalt  }
0x6a: {  	_ =	shalt  }
0x6b: {  	_ =	shalt  }
0x6c: {  	_ =	shalt  }
0x6d: {  	_ =	shalt  }
0x6e: {  	_ =	shalt  }
0x6f: {  	_ =	shalt  }
0x70: {  	_ =	shalt  }
0x71: {  	_ =	shalt  }
0x72: {  	_ =	shalt  }
0x73: {  	_ =	shalt  }
0x74: {  	_ =	shalt  }
0x75: {  	_ =	shalt  }
0x76: {  	_ =	shalt  }
0x77: {  	_ =	shalt  }
0x78: {  	_ =	shalt  }
0x79: {  	_ =	shalt  }
0x7a: {  	_ =	shalt  }
0x7b: {  	_ =	shalt  }
0x7c: {  	_ =	shalt  }
0x7d: {  	_ =	shalt  }
0x7e: {  	_ =	shalt  }
0x7f: {  	_ =	shalt  }
0x80: {  	_ =	shalt  }
0x81: {  	_ =	shalt  }
0x82: {  	_ =	shalt  }
0x83: {  	_ =	shalt  }
0x84: {  	_ =	shalt  }
0x85: {  	_ =	shalt  }
0x86: {  	_ =	shalt  }
0x87: {  	_ =	shalt  }
.Lfunc_end0:
.L_simem_size_0:
called_computation_lowered:
.L_overlay_start_0:
0x88: {  	s0 =	sld [smem:$0x3FD9]  }
0x89: {  	s1 =	sld [smem:$0x3FFE];
	_ =	sdelay $0x3  }
0x8a: {  	s0 =	sadd.s32 s1, s0  }
0x8b: {  	[smem:$0x3FC5] =	sst s0  }
0x8c: {  	_ = 	snop  }
0x8d: {  	s0 =	sld [smem:$0x3FD0];
	_ =	sdelay $0x2  }
0x8e: {  	s13 =	simm.s32 $0xA;
	s2 =	simm.s32 $0x10  }
0x8f: {  	[smem:s2], [sflag:s13] =	dma.local [hbm:s0], $0x1  }
0x90: {  	_ =	swait.eq [sflag:s13], $0x1  }
0x91: {  	[sflag:s13] =	ssyncset.done $0x0  }
0x92: {  	[sflag:s13] =	ssyncadd.s32 $0xFFFFFFFF  }
0x93: {  	s14 =	sld [smem:$0x10];
	(tm) =	ssettm $0x1  }
0x94: {  	s15 =	sld [smem:$0x3FFB];
	_ =	sdelay $0x3  }
0x95: {  	_ =	strace s15  }
0x96: {  	s1 =	sld [smem:$0x3FFC];
	_ =	sdelay $0x3  }
0x97: {  	_ =	strace s1  }
0x98: {  	s1 =	sld [smem:$0x3FFD];
	_ =	sdelay $0x3  }
0x99: {  	_ =	strace s1  }
0x9a: {  	_ =	strace $0x8FFFFFFF  }
0x9b: {  	s16 =	sld [smem:$0x3FDB];
	_ =	sdelay $0x1  }
0x9c: {  	s17 =	simm.s32 $_scs_section_size  }
0x9d: {  	s3 =	simm.s32 $_size__tile_overlayer_lowered;
	s4 =	simm.s32 $_tile_overlayer_lowered  }
0x9e: {  	s20 =	simm.s32 $0x1BFF;
	s19 =	sshll.u32 s4, $0x1;
	s1 =	sadd.s32 s17, s16  }
0x9f: {  	s5 =	simm.s32 $0x0;
	s18 =	sshll.u32 s3, $0x1;
	s3 =	sadd.s32 s19, s1  }
0xa0: {  	[timem:s5], [sflag:s20] =	dma.local [hbm:s3], s18  }
0xa1: {  	_ =	swait.ge [sflag:s20], s18  }
0xa2: {  	s2 =	ssub.s32 $0x0, s18;
	[sflag:s20] =	ssyncset.done $0x0  }
0xa3: {  	[sflag:s20] =	ssyncadd.s32 s2;
	_ =	sdelay $0x1  }
0xa4: {  	s21 =	simm.s32 $0x1B8B  }
0xa5: {  	_ =	swait.ge [sflag:s21], $0x1  }
0xa6: {  	[sflag:s21] =	ssyncset.done $0x0  }
0xa7: {  	s23 =	simm.s32 $0x1B8E;
	s22 =	sld [smem:$0x3FFE];
	[sflag:s21] =	ssyncadd.s32 $0xFFFFFFFF  }
0xa8: {  	s24 =	simm.s32 $execute0_lowered;
	[smem:$0x3FD2] =	sst s23  }
0xa9: {  	s3 =	sshll.u32 s24, $0x1;
	_ =	strace $0x80000046;
	[dreg:$0x1] =	wrdreg $0xFFFFFFFF  }
0xaa: {  	s25 =	simm.s32 $_size_execute0_lowered;
	s1 =	sadd.s32 s1, s3;
	[dreg:$0x0] =	wrdreg $0x0  }
0xab: {  	s3 =	sshll.u32 s25, $0x1;
	[dreg:$0x2] =	wrdreg s1  }
0xac: {  	[dreg:$0x3] =	wrdreg s3  }
0xad: {  	[dreg:$0x4] =	wrdreg $0xC0  }
0xae: {  	_ =	task [dreg:s5], $0x5FFFF  }
0xaf: {  	[dreg:$0x1] =	wrdreg $0xFFFFFFFF  }
0xb0: {  	[dreg:$0x0] =	wrdreg $0x60  }
0xb1: {  	[dreg:$0x2] =	wrdreg s22  }
0xb2: {  	[dreg:$0x3] =	wrdreg s14  }
0xb3: {  	[dreg:$0x4] =	wrdreg $0x9  }
0xb4: {  	_ =	task.clear_ibuf [dreg:s5], $0x5FFFF;
	_ =	strace $0x90000046  }
0xb5: {  	s26 =	simm.s32 $0x9;
	_ =	strace $0x80000048  }
0xb6: {  	_ =	swait.ge [sflag:s26], $0x1  }
0xb7: {  	[sflag:s26] =	ssyncadd.s32 $0xFFFFFFFF  }
0xb8: {  	_ =	strace $0x90000048  }
0xb9: {  	_ =	sfence  }
0xba: {  	s28 =	sld [smem:$0x0];
	_ =	sdelay $0x1  }
0xbb: {  	s29 =	srdreg.scid  }
0xbc: {  	s30 =	sshll.u32 s29, $0xD;
	s31 =	sshrl.u32 s29, $0x2  }
0xbd: {  	s2 =	sand.u32 $0x4000, s30;
	s1 =	sand.u32 $0x1, s29;
	s0 =	sadd.s32 s31, s28  }
0xbe: {  	s1 =	sor.u32 s2, s1;
	s0 =	sshll.u32 s0, $0x11  }
0xbf: {  	s0 =	sor.u32 s0, s1  }
0xc0: {  	s0 =	sadd.s32 $0x8F2B, s0  }
0xc1: {  	[sflag:s0] =	ssyncadd.remote.s32 $0x1  }
0xc2: {  	_ =	sfence.sel $0xFFFF  }
0xc3: {  	[dreg:$0x0] =	wrdreg $0xFFFFFFFF;
	(pc) =	sbr.abs _section_cstart, $3  }
0xc4: {  	[dreg:$0x1] =	wrdreg $0xFFFFFFFF  }
0xc5: {  	_ =	task.clear_ibuf [dreg:s5], $0x2FFFF;
	_ =	strace $0x9FFFFFFF  }
0xc6: {  	(tm) =	ssettm $0x7FFFFFFF  }
0xc7: {  	_ =	shalt  }
tec
execute0_lowered:
.L_overlay_start_1:
0x0: {  	(tag) =	ssettag $0x1  }
0x1: {  	s0 =	stileid.u32  }
0x2: {  	s1 =	smin.u32 s0, $0x9  }
0x3: {  	s1 =	sadd.s32 s0, s1  }
0x4: {  	s2 =	simm.s32 $0xA0;
	p0 =	slt.u32 s0, $0x9;
	s1 =	smul.u32 $0x50, s1  }
0x5: {  	s2 =	simm.s32 @!p0 $0x50  }
0x6: {  	s2 =	sadd.s32 s2, s1  }
0x7: {  	s3 =	smin.u32 s2, $0x7D0  }
0x8: {  	s7 =	ssub.s32 s3, s1  }
0x9: {  	p0 =	sgt.s32 s7, $0x0  }
0xa: {  	s7 =	simm.s32 @!p0 $0x0  }
0xb: {  	s4 =	rddreg [dreg:$0x0];
	s31 =	smul.u32 $0xCCCD, s7  }
0xc: {  	s5 =	rddreg [dreg:$0x1]  }
0xd: {  	s6 =	simm.s32 $0x1;
	s10 =	simm.s32 $0x3;
	s8 =	sshrl.u32 s31, $0x16  }
0xe: {  	s13 =	simm.s32 $0x0;
	s12 =	simm.s32 $0x0;
	s9 =	smul.u32 $0x50, s8  }
.Ltmp0:
0xf: {  	s11 =	smov.u32 s1;
	s2 =	rddreg [dreg:$0x2];
	(pc) =	sbr.rel .LBB2_1-.Ltmp0, $4  }
0x10: {  	_ =	strace $0x80000047;
	p0 =	sne.s32 s7, s9;
	s9 =	simm.s32 $0x1  }
0x11: {  	[sflag:s6] =	ssyncpa.u1 $0x0;
	s7 =	simm.s32 $0x2;
	s9 =	simm.s32 @!p0 $0x0  }
0x12: {  	[sflag:s7] =	ssyncpa.u1 $0x0;
	p0 =	por $0x0, $0x0;
	s8 =	sadd.s32 s8, s9  }
0x13: {  	vm0 =	vmmov $0xff;
	vm1 =	vcmask $0x3F20;
	s9 =	sadd.s32 $0x50000, s4;
	[sflag:s10] =	ssyncpa.u1 $0x0;
	s10 =	sadd.s32 $0x1, s8  }
.LBB2_6:
0x14: {  	[hbm:s17] =	stream.linear.scatter [tilespmem:s14], [sflag:$0x3], $0x400, $0x38;
	[tilespmem:$0x50A0] =	vst v63  }
.LBB2_7:
0x15: {  	s13 =	sadd.s32 $0x50, s11  }
0x16: {  	s15 =	smov.u32 s1;
	p2 =	slt.s32 s13, s3  }
0x17: {  	s15 =	smov.u32 @p2 s13;
	p2 =	sne.s32 s12, s10  }
.Ltmp1:
0x18: {  	p1 =	slt.u32 s12, $0x2;
	(pc) =	sbr.rel @!p2 .LBB2_8-.Ltmp1, $4  }
0x19: {  	s14 =	simm.s32 @!p1 $0x3  }
0x1a: {  	s16 =	sadd.s32 $0x1, s12;
	_ =	swait.ge @!p1 [sflag:s14], $0x2800  }
0x1b: {  	p0 =	por !p0, !p0;
	s13 =	smov.u32 s11;
	[sflag:s14] =	ssyncset.done @!p1 $0x0  }
0x1c: {  	s12 =	smov.u32 s16;
	s11 =	smov.u32 s15;
	[sflag:s14] =	ssyncadd.s32 @!p1 $0xFFFFD800  }
.LBB2_1:
0x1d: {  	p1 =	sge.u32 s12, s8  }
0x1e: {  	s14 =	sxor.u32 @!p1 $0xFFFFFFFF, s12  }
0x1f: {  	s14 =	sand.u32 @!p1 $0x1, s14  }
0x20: {  	s14 =	smul.u32 @!p1 $0x140, s14  }
0x21: {  	s31 =	sadd.s32 $0xFFFFFFFF, s12;
	s15 =	sshrl.u32 @!p1 s11, $0x3  }
0x22: {  	s16 =	sand.u32 @!p1 $0x7, s11;
	s15 =	sadd.s32 @!p1 s5, s15;
	s14 =	sshrl.u32 @!p1 s14, $0x2  }
0x23: {  	[tilespmem:s14], [sflag:$0x2] =	stream.linear.gather @!p1 [hbm4b:s15+s16], $0x50, $0x38;
	[tilespmem:$0x50A0] =	vst v63  }
0x24: {  	p1 =	sge.u32 s31, s8  }
.Ltmp2:
0x25: {  	_ = 	snop;
	(pc) =	sbr.rel @p1 .LBB2_7-.Ltmp2, $1  }
0x26: {  	_ =	sdelay $0x3  }
0x27: {  	s14 =	simm.s32 $0x1  }
0x28: {  	s14 =	simm.s32 @!p0 $0x0  }
0x29: {  	s15 =	smul.u32 $0x140, s14  }
0x2a: {  	_ =	swait.ge [sflag:s7], $0x50  }
0x2b: {  	[sflag:s7] =	ssyncset.done $0x0;
	s16 =	sshrl.u32 s15, $0x2  }
0x2c: {  	[sflag:s7] =	ssyncadd.s32 $0xFFFFFFB0;
	s15 =	sadd.s32 $0x0, s16  }
0x2d: {  	v0 =	vld.msk [tilespmem:s15+$0x0 ss:$0x1], $0xffff;
	_ =	sdelay $0x4  }
0x2e: {  	vm2 =	vgt.s32 v0, $0x0  }
0x2f: {  	v0 =	vnsel vm2, $0x0, v0  }
0x30: {  	v0 =	vmin.u32 v0, $0x4FFF  }
0x31: {  	v0 =	vshll.u32 v0, $0x4  }
0x32: {  	s14 =	smul.u32 $0xA000, s14;
	_ =	sdelay $0x1  }
0x33: {  	s14 =	sshrl.u32 s14, $0x2  }
0x34: {  	s14 =	sor.u32 $0xA0, s14  }
0x35: {  	[tilespmem:s14], [sflag:$0x1] =	stream.indirect_vreg.gather [hbm:s4], $0x80, v0, vm0, $0x38;
	[tilespmem:$0x50A0] =	vst v63  }
0x36: {  	s17 =	sadd.s32 $0x10, s16;
	s15 =	sadd.s32 $0x400, s14  }
0x37: {  	[tilespmem:s15], [sflag:$0x1] =	stream.indirect_vreg.gather [hbm:s4], $0x80, v0, vm1, $0x38;
	[tilespmem:$0x50A0] =	vst v63  }
0x38: {  	s18 =	simm.s32 $0x80;
	v0 =	vld.msk [tilespmem:s17+$0x0 ss:$0x1], $0xffff;
	s17 =	smov.u32 s14  }
.LBB2_3:
0x39: {  	p1 =	sne.s32 s18, $0x100;
	_ =	sdelay $0x4  }
0x3a: {  	vm2 =	vgt.s32 v0, $0x0  }
0x3b: {  	v0 =	vnsel vm2, $0x0, v0  }
0x3c: {  	v0 =	vmin.u32 v0, $0x4FFF  }
0x3d: {  	v0 =	vshll.u32 v0, $0x4;
	_ =	sdelay $0x3  }
.Ltmp3:
0x3e: {  	s19 =	sshra.s32 s18, $0x2;
	s17 =	sadd.s32 $0x800, s17;
	(pc) =	sbr.rel @p1 .LBB2_3-.Ltmp3, $4  }
0x3f: {  	[tilespmem:s17], [sflag:$0x1] =	stream.indirect_vreg.gather [hbm:s4], $0x80, v0, vm0, $0x38;
	[tilespmem:$0x50A0] =	vst v63  }
0x40: {  	s19 =	sadd.s32 s19, s16;
	s20 =	sadd.s32 $0x400, s17  }
0x41: {  	[tilespmem:s20], [sflag:$0x1] =	stream.indirect_vreg.gather [hbm:s4], $0x80, v0, vm1, $0x38;
	[tilespmem:$0x50A0] =	vst v63  }
0x42: {  	s18 =	sadd.s32 $0x40, s18;
	v0 =	vld.msk [tilespmem:s19+$0x0 ss:$0x1], $0xffff  }
0x43: {  	_ =	sdelay $0x3  }
0x44: {  	vm2 =	vgt.s32 v0, $0x0  }
0x45: {  	v0 =	vnsel vm2, $0x0, v0  }
0x46: {  	v0 =	vmin.u32 v0, $0x4FFF  }
0x47: {  	v0 =	vshll.u32 v0, $0x4;
	_ =	sdelay $0x3  }
0x48: {  	s16 =	sadd.s32 $0x800, s17  }
0x49: {  	[tilespmem:s16], [sflag:$0x1] =	stream.indirect_vreg.gather [hbm:s4], $0x80, v0, vm0, $0x38;
	[tilespmem:$0x50A0] =	vst v63  }
0x4a: {  	s16 =	sadd.s32 $0x400, s16  }
0x4b: {  	[tilespmem:s16], [sflag:$0x1] =	stream.indirect_vreg.gather [hbm:s4], $0x80, v0, vm1, $0x38;
	[tilespmem:$0x50A0] =	vst v63  }
0x4c: {  	s13 =	sshll.u32 s13, $0x4;
	_ =	swait.ge [sflag:s6], $0x2800  }
0x4d: {  	s13 =	sadd.s32 s13, s9;
	[sflag:s6] =	ssyncset.done $0x0  }
0x4e: {  	s17 =	sadd.s32 $0x0, s13;
	s16 =	simm.s32 $0x80;
	[sflag:s6] =	ssyncadd.s32 $0xFFFFD800  }
.LBB2_5:
0x4f: {  	[hbm:s17] =	stream.linear.scatter [tilespmem:s14], [sflag:$0x3], $0x400, $0x38;
	[tilespmem:$0x50A0] =	vst v63  }
0x50: {  	s17 =	smov.u32 s16;
	s14 =	smov.u32 s15;
	p1 =	sne.s32 s16, $0x480  }
.Ltmp4:
0x51: {  	s16 =	sadd.s32 $0x80, s16;
	(pc) =	sbr.rel @p1 .LBB2_5-.Ltmp4, $2  }
0x52: {  	_ =	sdelay $0x2  }
0x53: {  	s15 =	sadd.s32 $0x400, s15;
	s17 =	sadd.s32 s17, s13  }
.Ltmp5:
0x54: {  	_ = 	snop;
	(pc) =	sbr.rel .LBB2_6-.Ltmp5, $1  }
0x55: {  	_ =	sdelay $0x3  }
.LBB2_8:
0x56: {  	_ =	sfence.sel $0x180000  }
0x57: {  	s1 =	simm.s32 $0x2;
	[bflag:$0x0] =	sbarrier.arrive $0xFFFF  }
0x58: {  	s30 =	simm.s32 $0x3;
	[sflag:s1] =	ssyncpa.u1 $0x1  }
0x59: {  	s31 =	simm.s32 $0x1;
	[sflag:s30] =	ssyncpa.u1 $0x1  }
0x5a: {  	[sflag:s31] =	ssyncpa.u1 $0x1  }
0x5b: {  	p0 =	sne.s32 s0, $0x0;
	_ =	strace $0x90000047  }
0x5c: {  	s0 =	sadd.s32 @!p0 $0x100000, s2;
	[bflag:$0x2] =	sbarrier.arrive $0xFFFF  }
0x5d: {  	[sflag:s0] =	ssyncadd.tile.s32 @!p0 $0x1;
	_ =	shalt  }
.Lfunc_end2:
_tile_overlayer_lowered:
.L_overlay_start_2:
0x5e: {  	(tag) =	ssettag $0x2  }
0x5f: {  	s0 =	rddreg [dreg:$0x0];
	s2 =	stileid.u32  }
0x60: {  	s1 =	rddreg [dreg:$0x1];
	p0 =	sne.s32 s2, $0x0  }
0x61: {  	s3 =	rddreg [dreg:$0x2];
	[bflag:$0x3] =	sbarrier.arrive $0xFFFF;
	s2 =	simm.s32 @!p0 $0x1C01  }
0x62: {  	[timem:s3], [sflag:s2] =	dma.local @!p0 [hbm:s0], s1  }
0x63: {  	s0 =	simm.s32 @!p0 $0x1  }
0x64: {  	_ =	swait.ge @!p0 [sflag:s0], s1  }
0x65: {  	s1 =	ssub.s32 @!p0 $0x0, s1;
	[sflag:s0] =	ssyncset.done @!p0 $0x0  }
0x66: {  	[sflag:s0] =	ssyncadd.s32 @!p0 s1  }
0x67: {  	[bflag:$0x3] =	sbarrier.arrive $0xFFFF  }
0x68: {  	_ =	shalt  }

</sc_bundles>
